<compile_context>
chip_gen: v7x
topology: tpu7x:2x2x1
jax: 0.10.2.dev20260603
libtpu: 0.0.44.dev20260713+nightly
codegen_flags: <defaults>
</compile_context>

<pallas_src>
import functools

import jax
import jax.numpy as jnp
from jax import lax
from jax.experimental import pallas as pl
from jax.experimental.pallas import tpu as pltpu
from jax.experimental.pallas import tpu_sc as plsc

N_NODES = 10000
N_EDGES = 320000
D = 128

NC = 2
NS = 16
NW = NC * NS
E_PER_TILE = N_EDGES // NW
CHUNK = 80
NCHUNK = E_PER_TILE // CHUNK
N_PAD = 10240
STRIPE = N_PAD // NS
NCHUNK_F = N_EDGES // NS // CHUNK
IBLK = 25
NIB = NCHUNK_F // IBLK
NBUF = 5
PREF = 3
LAG = 1
OWN = 5000
OWN_PAD = 5120
ACC_ROWS = 5136
AGG_STRIPE = OWN_PAD // NS
ROW_CHUNK = 80


def _deg_body(dst_hbm, deg_hbm, idx_v, ones_v, stripe_v, acc_sh):
    c = lax.axis_index("c")
    s = lax.axis_index("s")
    for i in range(CHUNK // 16):
        ones_v[pl.ds(i * 16, 16)] = jnp.ones((16,), jnp.float32)
    for i in range(640 // 16):
        stripe_v[pl.ds(i * 16, 16)] = jnp.zeros((16,), jnp.float32)
    pltpu.sync_copy(stripe_v, acc_sh.at[pl.ds(s * 640, 640)])
    plsc.subcore_barrier()
    pltpu.sync_copy(dst_hbm.at[c, s], idx_v)

    def chunk(j, carry):
        pltpu.sync_copy(ones_v, acc_sh.at[idx_v.at[j]], add=True)
        return carry

    lax.fori_loop(0, NCHUNK, chunk, 0)
    plsc.subcore_barrier()
    pltpu.sync_copy(acc_sh.at[pl.ds(s * 640, 640)], stripe_v)
    pltpu.sync_copy(stripe_v, deg_hbm.at[c, pl.ds(s * 640, 640)])


@jax.jit
def _deg_kernel(dst4):
    mesh = plsc.VectorSubcoreMesh(core_axis_name="c", subcore_axis_name="s")
    return pl.kernel(
        _deg_body,
        out_type=jax.ShapeDtypeStruct((NC, N_PAD), jnp.float32),
        mesh=mesh,
        scratch_types=[
            pltpu.VMEM((NCHUNK, CHUNK), jnp.int32),
            pltpu.VMEM((CHUNK,), jnp.float32),
            pltpu.VMEM((640,), jnp.float32),
            pltpu.VMEM_SHARED((N_PAD,), jnp.float32),
        ],
    )(dst4)


def _agg_body(y_hbm, src_hbm, dst_hbm, agg_hbm,
              sidx_v, didx_v, rows_v, acc_sh, *sems):
    isem = sems[0]
    gsem = sems[1:1 + NBUF]
    ssem = sems[1 + NBUF:1 + 2 * NBUF]
    c = lax.axis_index("c")
    s = lax.axis_index("s")
    base = s * AGG_STRIPE
    lo = c * OWN

    def zrow(r, carry):
        for k in range(D // 16):
            rows_v[0, r, pl.ds(k * 16, 16)] = jnp.zeros((16,), jnp.float32)
        return carry

    lax.fori_loop(0, ROW_CHUNK, zrow, 0)
    for i in range(AGG_STRIPE // ROW_CHUNK):
        pltpu.sync_copy(rows_v.at[0],
                        acc_sh.at[pl.ds(base + i * ROW_CHUNK, ROW_CHUNK)])
    plsc.subcore_barrier()

    pltpu.async_copy(src_hbm.at[s, 0], sidx_v.at[0], isem)
    pltpu.async_copy(dst_hbm.at[s, 0], didx_v.at[0], isem)

    def block(ib, carry):
        ib2 = lax.rem(ib, 2)
        pltpu.make_async_copy(src_hbm.at[s, ib], sidx_v.at[ib2], isem).wait()
        pltpu.make_async_copy(dst_hbm.at[s, ib], didx_v.at[ib2], isem).wait()

        gh = {}
        for j in range(PREF):
            gh[j] = pltpu.async_copy(
                y_hbm.at[sidx_v.at[ib2, j]], rows_v.at[j % NBUF],
                gsem[j % NBUF])

        @pl.when(ib < NIB - 1)
        def _():
            nxt = lax.rem(ib + 1, 2)
            pltpu.async_copy(src_hbm.at[s, ib + 1], sidx_v.at[nxt], isem)
            pltpu.async_copy(dst_hbm.at[s, ib + 1], didx_v.at[nxt], isem)

        def remap(t, carry2):
            j = t // (CHUNK // 16)
            k = t % (CHUNK // 16)
            d = didx_v[ib2, j, pl.ds(k * 16, 16)] - lo
            ok = jnp.logical_and(d >= 0, d < OWN)
            dump = OWN_PAD + lax.iota(jnp.int32, 16)
            didx_v[ib2, j, pl.ds(k * 16, 16)] = jnp.where(ok, d, dump)
            return carry2

        lax.fori_loop(0, IBLK * (CHUNK // 16), remap, 0)

        sh = {}
        for j in range(IBLK):
            b = j % NBUF
            gh[j].wait()
            sh[j] = pltpu.async_copy(
                rows_v.at[b], acc_sh.at[didx_v.at[ib2, j]], ssem[b], add=True)
            if j - LAG >= 0:
                sh[j - LAG].wait()
            nj = j + PREF
            if nj < IBLK:
                nb = nj % NBUF
                gh[nj] = pltpu.async_copy(
                    y_hbm.at[sidx_v.at[ib2, nj]], rows_v.at[nb], gsem[nb])
        for j in range(IBLK - LAG, IBLK):
            sh[j].wait()
        return carry

    lax.fori_loop(0, NIB, block, 0)
    plsc.subcore_barrier()
    for i in range(AGG_STRIPE // ROW_CHUNK):
        off = base + i * ROW_CHUNK
        pltpu.sync_copy(acc_sh.at[pl.ds(off, ROW_CHUNK)], rows_v.at[0])
        pltpu.sync_copy(rows_v.at[0], agg_hbm.at[c, pl.ds(off, ROW_CHUNK)])


@jax.jit
def _agg_kernel(y, src3, dst3):
    mesh = plsc.VectorSubcoreMesh(core_axis_name="c", subcore_axis_name="s")
    return pl.kernel(
        _agg_body,
        out_type=jax.ShapeDtypeStruct((NC, OWN_PAD, D), jnp.float32),
        mesh=mesh,
        scratch_types=[
            pltpu.VMEM((2, IBLK, CHUNK), jnp.int32),
            pltpu.VMEM((2, IBLK, CHUNK), jnp.int32),
            pltpu.VMEM((NBUF, CHUNK, D), jnp.float32),
            pltpu.VMEM_SHARED((ACC_ROWS, D), jnp.float32),
        ] + [pltpu.SemaphoreType.DMA] * (1 + 2 * NBUF),
    )(y, src3, dst3)


def _mm_body(x_ref, w_ref, degp_ref, y_ref):
    xw = jnp.dot(x_ref[...], w_ref[...], preferred_element_type=jnp.float32)
    deg = degp_ref[0, 0, :] + degp_ref[0, 1, :] + 1.0
    dis = lax.rsqrt(deg)
    y_ref[...] = xw * dis[:, None]


@jax.jit
def _mm_kernel(x, W, degp5):
    rb = 2000
    grid = N_NODES // rb
    return pl.pallas_call(
        _mm_body,
        grid=(grid,),
        in_specs=[
            pl.BlockSpec((rb, D), lambda j: (j, 0)),
            pl.BlockSpec((D, D), lambda j: (0, 0)),
            pl.BlockSpec((1, NC, rb), lambda j: (j, 0, 0)),
        ],
        out_specs=pl.BlockSpec((rb, D), lambda j: (j, 0)),
        out_shape=jax.ShapeDtypeStruct((N_NODES, D), jnp.float32),
    )(x, W, degp5)


def _fin_body(agg_ref, y_ref, degp_ref, b_ref, out_ref):
    deg = degp_ref[0, 0, :] + degp_ref[0, 1, :] + 1.0
    dis = lax.rsqrt(deg)
    out_ref[...] = jnp.maximum(
        dis[:, None] * (agg_ref[0] + y_ref[...]) + b_ref[...], 0.0)


@jax.jit
def _fin_kernel(agg, y, degp10, b2):
    rb = 1000
    half = OWN // rb
    return pl.pallas_call(
        _fin_body,
        grid=(N_NODES // rb,),
        in_specs=[
            pl.BlockSpec((1, rb, D), lambda j: (j // half, j % half, 0)),
            pl.BlockSpec((rb, D), lambda j: (j, 0)),
            pl.BlockSpec((1, NC, rb), lambda j: (j, 0, 0)),
            pl.BlockSpec((1, D), lambda j: (0, 0)),
        ],
        out_specs=pl.BlockSpec((rb, D), lambda j: (j, 0)),
        out_shape=jax.ShapeDtypeStruct((N_NODES, D), jnp.float32),
    )(agg, y, degp10, b2)


def kernel(x, edge_index, W, b):
    ei = edge_index.astype(jnp.int32)
    src4 = ei[0].reshape(NC, NS, NCHUNK, CHUNK)
    dst4 = ei[1].reshape(NC, NS, NCHUNK, CHUNK)
    src3 = ei[0].reshape(NS, NIB, IBLK, CHUNK)
    dst3 = ei[1].reshape(NS, NIB, IBLK, CHUNK)
    deg_part = _deg_kernel(dst4)
    degp = deg_part[:, :N_NODES]
    degp5 = jnp.swapaxes(degp.reshape(NC, 5, 2000), 0, 1)
    degp10 = jnp.swapaxes(degp.reshape(NC, 10, 1000), 0, 1)
    y = _mm_kernel(x, W, degp5)
    agg = _agg_kernel(y, src3, dst3)
    return _fin_kernel(agg, y, degp10, b.reshape(1, D))

# --- scband reference (transcript-rebuilt; emitter-appended) ---
"""Pipeline reference for scband-gnnlayer-53291954209278 (READ-ONLY COPY).

The authoritative reference and input builder live on the scoring server;
editing this copy changes nothing except your own understanding.
"""

import jax, jax.numpy as jnp
import numpy as np

N_NODES = 10000
N_EDGES = 320000
D_IN = 128
D_OUT = 128

def setup_inputs(seed: int = 0) -> dict:
    key = jax.random.key(seed)
    k1, k2, k3, k4 = jax.random.split(key, 4)
    x = jax.random.normal(k1, (N_NODES, D_IN), dtype=jnp.float32)
    edge_index = jax.random.randint(k2, (2, N_EDGES), 0, N_NODES, dtype=jnp.int64)
    # GCNConv linear weight (stored [out,in] in torch; we store [in,out] and use x @ W)
    W = jax.random.normal(k3, (D_IN, D_OUT), dtype=jnp.float32) * (1.0 / np.sqrt(D_IN))
    b = jnp.zeros((D_OUT,), dtype=jnp.float32)
    return {"x": x, "edge_index": edge_index, "W": W, "b": b}

def reference(x, edge_index, W, b):
    # GCNConv (PyG defaults): add_self_loops=True, normalize=True (symmetric), bias=True
    N = x.shape[0]
    src = edge_index[0]
    dst = edge_index[1]
    loop = jnp.arange(N, dtype=edge_index.dtype)
    src = jnp.concatenate([src, loop])
    dst = jnp.concatenate([dst, loop])
    ew = jnp.ones((src.shape[0],), dtype=x.dtype)
    # degree over destination nodes (gcn_norm uses col)
    deg = jnp.zeros((N,), dtype=x.dtype).at[dst].add(ew)
    deg_inv_sqrt = jnp.where(deg > 0, jax.lax.rsqrt(deg), 0.0)
    norm = deg_inv_sqrt[src] * deg_inv_sqrt[dst]
    # linear transform first, then propagate
    xw = x @ W
    msg = xw[src] * norm[:, None]
    agg = jnp.zeros((N, xw.shape[1]), dtype=x.dtype).at[dst].add(msg)
    out = agg + b
    # activation=relu, dropout=0 -> identity, batch_norm off, residual off
    out = jax.nn.relu(out)
    return out

if __name__ == "__main__":
    import jax
    _d = setup_inputs()
    print(jax.jit(kernel)(*tuple(_d.values())))

</pallas_src>

<mosaic_0001>
#map = affine_map<(d0, d1) -> (0, 0, 0, 0)>
#map1 = affine_map<(d0, d1) -> (0, 0)>
module attributes {stable_mosaic.version = 14 : i64} {
  func.func @_deg_body(%arg0: i32, %arg1: i32, %arg2: memref<2x16x125x80xi32, #tpu.memory_space<hbm>>, %arg3: memref<2x10240xf32, #tpu.memory_space<hbm>>, %arg4: memref<125x80xi32, #tpu.memory_space<vmem>>, %arg5: memref<80xf32, #tpu.memory_space<vmem>>, %arg6: memref<640xf32, #tpu.memory_space<vmem>>, %arg7: memref<10240xf32, #tpu.memory_space<vmem_shared>>) attributes {dimension_semantics = [#tpu.dimension_semantics<core_parallel>, #tpu.dimension_semantics<subcore_parallel>], iteration_bounds = array<i64: 2, 16>, scalar_prefetch = 0 : i64, scratch_operands = 4 : i64, tpu.core_type = #tpu.core_type<sc_vector_subcore>, window_params = [{transform_indices = #map}, {transform_indices = #map1}]} {
    %broadcast_in_dim3A = arith.constant 1.000000e+00 : f32
    %broadcast_in_dim3A_0 = vector.broadcast %broadcast_in_dim3A : f32 to vector<16xf32>
    %swap3A = arith.constant 0 : index
    %swap3A_1 = tpu.vector_load %arg5[%swap3A] {strides = array<i32>} : memref<80xf32, #tpu.memory_space<vmem>>, vector<16xf32>,
    %swap3A_2 = vector.shape_cast %swap3A_1 : vector<16xf32> to vector<16xf32>
    %swap3A_3 = vector.shape_cast %broadcast_in_dim3A_0 : vector<16xf32> to vector<16xf32>
    tpu.vector_store %arg5[%swap3A], %swap3A_3 {strides = array<i32>} : memref<80xf32, #tpu.memory_space<vmem>>, vector<16xf32>,
    %broadcast_in_dim3A_4 = arith.constant 1.000000e+00 : f32
    %broadcast_in_dim3A_5 = vector.broadcast %broadcast_in_dim3A_4 : f32 to vector<16xf32>
    %swap3A_6 = arith.constant 16 : index
    %swap3A_7 = tpu.vector_load %arg5[%swap3A_6] {strides = array<i32>} : memref<80xf32, #tpu.memory_space<vmem>>, vector<16xf32>,
    %swap3A_8 = vector.shape_cast %swap3A_7 : vector<16xf32> to vector<16xf32>
    %swap3A_9 = vector.shape_cast %broadcast_in_dim3A_5 : vector<16xf32> to vector<16xf32>
    tpu.vector_store %arg5[%swap3A_6], %swap3A_9 {strides = array<i32>} : memref<80xf32, #tpu.memory_space<vmem>>, vector<16xf32>,
    %broadcast_in_dim3A_10 = arith.constant 1.000000e+00 : f32
    %broadcast_in_dim3A_11 = vector.broadcast %broadcast_in_dim3A_10 : f32 to vector<16xf32>
    %swap3A_12 = arith.constant 32 : index
    %swap3A_13 = tpu.vector_load %arg5[%swap3A_12] {strides = array<i32>} : memref<80xf32, #tpu.memory_space<vmem>>, vector<16xf32>,
    %swap3A_14 = vector.shape_cast %swap3A_13 : vector<16xf32> to vector<16xf32>
    %swap3A_15 = vector.shape_cast %broadcast_in_dim3A_11 : vector<16xf32> to vector<16xf32>
    tpu.vector_store %arg5[%swap3A_12], %swap3A_15 {strides = array<i32>} : memref<80xf32, #tpu.memory_space<vmem>>, vector<16xf32>,
    %broadcast_in_dim3A_16 = arith.constant 1.000000e+00 : f32
    %broadcast_in_dim3A_17 = vector.broadcast %broadcast_in_dim3A_16 : f32 to vector<16xf32>
    %swap3A_18 = arith.constant 48 : index
    %swap3A_19 = tpu.vector_load %arg5[%swap3A_18] {strides = array<i32>} : memref<80xf32, #tpu.memory_space<vmem>>, vector<16xf32>,
    %swap3A_20 = vector.shape_cast %swap3A_19 : vector<16xf32> to vector<16xf32>
    %swap3A_21 = vector.shape_cast %broadcast_in_dim3A_17 : vector<16xf32> to vector<16xf32>
    tpu.vector_store %arg5[%swap3A_18], %swap3A_21 {strides = array<i32>} : memref<80xf32, #tpu.memory_space<vmem>>, vector<16xf32>,
    %broadcast_in_dim3A_22 = arith.constant 1.000000e+00 : f32
    %broadcast_in_dim3A_23 = vector.broadcast %broadcast_in_dim3A_22 : f32 to vector<16xf32>
    %swap3A_24 = arith.constant 64 : index
    %swap3A_25 = tpu.vector_load %arg5[%swap3A_24] {strides = array<i32>} : memref<80xf32, #tpu.memory_space<vmem>>, vector<16xf32>,
    %swap3A_26 = vector.shape_cast %swap3A_25 : vector<16xf32> to vector<16xf32>
    %swap3A_27 = vector.shape_cast %broadcast_in_dim3A_23 : vector<16xf32> to vector<16xf32>
    tpu.vector_store %arg5[%swap3A_24], %swap3A_27 {strides = array<i32>} : memref<80xf32, #tpu.memory_space<vmem>>, vector<16xf32>,
    %broadcast_in_dim3A_28 = arith.constant 0.000000e+00 : f32
    %broadcast_in_dim3A_29 = vector.broadcast %broadcast_in_dim3A_28 : f32 to vector<16xf32>
    %swap3A_30 = arith.constant 0 : index
    %swap3A_31 = tpu.vector_load %arg6[%swap3A_30] {strides = array<i32>} : memref<640xf32, #tpu.memory_space<vmem>>, vector<16xf32>,
    %swap3A_32 = vector.shape_cast %swap3A_31 : vector<16xf32> to vector<16xf32>
    %swap3A_33 = vector.shape_cast %broadcast_in_dim3A_29 : vector<16xf32> to vector<16xf32>
    tpu.vector_store %arg6[%swap3A_30], %swap3A_33 {strides = array<i32>} : memref<640xf32, #tpu.memory_space<vmem>>, vector<16xf32>,
    %broadcast_in_dim3A_34 = arith.constant 0.000000e+00 : f32
    %broadcast_in_dim3A_35 = vector.broadcast %broadcast_in_dim3A_34 : f32 to vector<16xf32>
    %swap3A_36 = arith.constant 16 : index
    %swap3A_37 = tpu.vector_load %arg6[%swap3A_36] {strides = array<i32>} : memref<640xf32, #tpu.memory_space<vmem>>, vector<16xf32>,
    %swap3A_38 = vector.shape_cast %swap3A_37 : vector<16xf32> to vector<16xf32>
    %swap3A_39 = vector.shape_cast %broadcast_in_dim3A_35 : vector<16xf32> to vector<16xf32>
    tpu.vector_store %arg6[%swap3A_36], %swap3A_39 {strides = array<i32>} : memref<640xf32, #tpu.memory_space<vmem>>, vector<16xf32>,
    %broadcast_in_dim3A_40 = arith.constant 0.000000e+00 : f32
    %broadcast_in_dim3A_41 = vector.broadcast %broadcast_in_dim3A_40 : f32 to vector<16xf32>
    %swap3A_42 = arith.constant 32 : index
    %swap3A_43 = tpu.vector_load %arg6[%swap3A_42] {strides = array<i32>} : memref<640xf32, #tpu.memory_space<vmem>>, vector<16xf32>,
    %swap3A_44 = vector.shape_cast %swap3A_43 : vector<16xf32> to vector<16xf32>
    %swap3A_45 = vector.shape_cast %broadcast_in_dim3A_41 : vector<16xf32> to vector<16xf32>
    tpu.vector_store %arg6[%swap3A_42], %swap3A_45 {strides = array<i32>} : memref<640xf32, #tpu.memory_space<vmem>>, vector<16xf32>,
    %broadcast_in_dim3A_46 = arith.constant 0.000000e+00 : f32
    %broadcast_in_dim3A_47 = vector.broadcast %broadcast_in_dim3A_46 : f32 to vector<16xf32>
    %swap3A_48 = arith.constant 48 : index
    %swap3A_49 = tpu.vector_load %arg6[%swap3A_48] {strides = array<i32>} : memref<640xf32, #tpu.memory_space<vmem>>, vector<16xf32>,
    %swap3A_50 = vector.shape_cast %swap3A_49 : vector<16xf32> to vector<16xf32>
    %swap3A_51 = vector.shape_cast %broadcast_in_dim3A_47 : vector<16xf32> to vector<16xf32>
    tpu.vector_store %arg6[%swap3A_48], %swap3A_51 {strides = array<i32>} : memref<640xf32, #tpu.memory_space<vmem>>, vector<16xf32>,
    %broadcast_in_dim3A_52 = arith.constant 0.000000e+00 : f32
    %broadcast_in_dim3A_53 = vector.broadcast %broadcast_in_dim3A_52 : f32 to vector<16xf32>
    %swap3A_54 = arith.constant 64 : index
    %swap3A_55 = tpu.vector_load %arg6[%swap3A_54] {strides = array<i32>} : memref<640xf32, #tpu.memory_space<vmem>>, vector<16xf32>,
    %swap3A_56 = vector.shape_cast %swap3A_55 : vector<16xf32> to vector<16xf32>
    %swap3A_57 = vector.shape_cast %broadcast_in_dim3A_53 : vector<16xf32> to vector<16xf32>
    tpu.vector_store %arg6[%swap3A_54], %swap3A_57 {strides = array<i32>} : memref<640xf32, #tpu.memory_space<vmem>>, vector<16xf32>,
    %broadcast_in_dim3A_58 = arith.constant 0.000000e+00 : f32
    %broadcast_in_dim3A_59 = vector.broadcast %broadcast_in_dim3A_58 : f32 to vector<16xf32>
    %swap3A_60 = arith.constant 80 : index
    %swap3A_61 = tpu.vector_load %arg6[%swap3A_60] {strides = array<i32>} : memref<640xf32, #tpu.memory_space<vmem>>, vector<16xf32>,
    %swap3A_62 = vector.shape_cast %swap3A_61 : vector<16xf32> to vector<16xf32>
    %swap3A_63 = vector.shape_cast %broadcast_in_dim3A_59 : vector<16xf32> to vector<16xf32>
    tpu.vector_store %arg6[%swap3A_60], %swap3A_63 {strides = array<i32>} : memref<640xf32, #tpu.memory_space<vmem>>, vector<16xf32>,
    %broadcast_in_dim3A_64 = arith.constant 0.000000e+00 : f32
    %broadcast_in_dim3A_65 = vector.broadcast %broadcast_in_dim3A_64 : f32 to vector<16xf32>
    %swap3A_66 = arith.constant 96 : index
    %swap3A_67 = tpu.vector_load %arg6[%swap3A_66] {strides = array<i32>} : memref<640xf32, #tpu.memory_space<vmem>>, vector<16xf32>,
    %swap3A_68 = vector.shape_cast %swap3A_67 : vector<16xf32> to vector<16xf32>
    %swap3A_69 = vector.shape_cast %broadcast_in_dim3A_65 : vector<16xf32> to vector<16xf32>
    tpu.vector_store %arg6[%swap3A_66], %swap3A_69 {strides = array<i32>} : memref<640xf32, #tpu.memory_space<vmem>>, vector<16xf32>,
    %broadcast_in_dim3A_70 = arith.constant 0.000000e+00 : f32
    %broadcast_in_dim3A_71 = vector.broadcast %broadcast_in_dim3A_70 : f32 to vector<16xf32>
    %swap3A_72 = arith.constant 112 : index
    %swap3A_73 = tpu.vector_load %arg6[%swap3A_72] {strides = array<i32>} : memref<640xf32, #tpu.memory_space<vmem>>, vector<16xf32>,
    %swap3A_74 = vector.shape_cast %swap3A_73 : vector<16xf32> to vector<16xf32>
    %swap3A_75 = vector.shape_cast %broadcast_in_dim3A_71 : vector<16xf32> to vector<16xf32>
    tpu.vector_store %arg6[%swap3A_72], %swap3A_75 {strides = array<i32>} : memref<640xf32, #tpu.memory_space<vmem>>, vector<16xf32>,
    %broadcast_in_dim3A_76 = arith.constant 0.000000e+00 : f32
    %broadcast_in_dim3A_77 = vector.broadcast %broadcast_in_dim3A_76 : f32 to vector<16xf32>
    %swap3A_78 = arith.constant 128 : index
    %swap3A_79 = tpu.vector_load %arg6[%swap3A_78] {strides = array<i32>} : memref<640xf32, #tpu.memory_space<vmem>>, vector<16xf32>,
    %swap3A_80 = vector.shape_cast %swap3A_79 : vector<16xf32> to vector<16xf32>
    %swap3A_81 = vector.shape_cast %broadcast_in_dim3A_77 : vector<16xf32> to vector<16xf32>
    tpu.vector_store %arg6[%swap3A_78], %swap3A_81 {strides = array<i32>} : memref<640xf32, #tpu.memory_space<vmem>>, vector<16xf32>,
    %broadcast_in_dim3A_82 = arith.constant 0.000000e+00 : f32
    %broadcast_in_dim3A_83 = vector.broadcast %broadcast_in_dim3A_82 : f32 to vector<16xf32>
    %swap3A_84 = arith.constant 144 : index
    %swap3A_85 = tpu.vector_load %arg6[%swap3A_84] {strides = array<i32>} : memref<640xf32, #tpu.memory_space<vmem>>, vector<16xf32>,
    %swap3A_86 = vector.shape_cast %swap3A_85 : vector<16xf32> to vector<16xf32>
    %swap3A_87 = vector.shape_cast %broadcast_in_dim3A_83 : vector<16xf32> to vector<16xf32>
    tpu.vector_store %arg6[%swap3A_84], %swap3A_87 {strides = array<i32>} : memref<640xf32, #tpu.memory_space<vmem>>, vector<16xf32>,
    %broadcast_in_dim3A_88 = arith.constant 0.000000e+00 : f32
    %broadcast_in_dim3A_89 = vector.broadcast %broadcast_in_dim3A_88 : f32 to vector<16xf32>
    %swap3A_90 = arith.constant 160 : index
    %swap3A_91 = tpu.vector_load %arg6[%swap3A_90] {strides = array<i32>} : memref<640xf32, #tpu.memory_space<vmem>>, vector<16xf32>,
    %swap3A_92 = vector.shape_cast %swap3A_91 : vector<16xf32> to vector<16xf32>
    %swap3A_93 = vector.shape_cast %broadcast_in_dim3A_89 : vector<16xf32> to vector<16xf32>
    tpu.vector_store %arg6[%swap3A_90], %swap3A_93 {strides = array<i32>} : memref<640xf32, #tpu.memory_space<vmem>>, vector<16xf32>,
    %broadcast_in_dim3A_94 = arith.constant 0.000000e+00 : f32
    %broadcast_in_dim3A_95 = vector.broadcast %broadcast_in_dim3A_94 : f32 to vector<16xf32>
    %swap3A_96 = arith.constant 176 : index
    %swap3A_97 = tpu.vector_load %arg6[%swap3A_96] {strides = array<i32>} : memref<640xf32, #tpu.memory_space<vmem>>, vector<16xf32>,
    %swap3A_98 = vector.shape_cast %swap3A_97 : vector<16xf32> to vector<16xf32>
    %swap3A_99 = vector.shape_cast %broadcast_in_dim3A_95 : vector<16xf32> to vector<16xf32>
    tpu.vector_store %arg6[%swap3A_96], %swap3A_99 {strides = array<i32>} : memref<640xf32, #tpu.memory_space<vmem>>, vector<16xf32>,
    %broadcast_in_dim3A_100 = arith.constant 0.000000e+00 : f32
    %broadcast_in_dim3A_101 = vector.broadcast %broadcast_in_dim3A_100 : f32 to vector<16xf32>
    %swap3A_102 = arith.constant 192 : index
    %swap3A_103 = tpu.vector_load %arg6[%swap3A_102] {strides = array<i32>} : memref<640xf32, #tpu.memory_space<vmem>>, vector<16xf32>,
    %swap3A_104 = vector.shape_cast %swap3A_103 : vector<16xf32> to vector<16xf32>
    %swap3A_105 = vector.shape_cast %broadcast_in_dim3A_101 : vector<16xf32> to vector<16xf32>
    tpu.vector_store %arg6[%swap3A_102], %swap3A_105 {strides = array<i32>} : memref<640xf32, #tpu.memory_space<vmem>>, vector<16xf32>,
    %broadcast_in_dim3A_106 = arith.constant 0.000000e+00 : f32
    %broadcast_in_dim3A_107 = vector.broadcast %broadcast_in_dim3A_106 : f32 to vector<16xf32>
    %swap3A_108 = arith.constant 208 : index
    %swap3A_109 = tpu.vector_load %arg6[%swap3A_108] {strides = array<i32>} : memref<640xf32, #tpu.memory_space<vmem>>, vector<16xf32>,
    %swap3A_110 = vector.shape_cast %swap3A_109 : vector<16xf32> to vector<16xf32>
    %swap3A_111 = vector.shape_cast %broadcast_in_dim3A_107 : vector<16xf32> to vector<16xf32>
    tpu.vector_store %arg6[%swap3A_108], %swap3A_111 {strides = array<i32>} : memref<640xf32, #tpu.memory_space<vmem>>, vector<16xf32>,
    %broadcast_in_dim3A_112 = arith.constant 0.000000e+00 : f32
    %broadcast_in_dim3A_113 = vector.broadcast %broadcast_in_dim3A_112 : f32 to vector<16xf32>
    %swap3A_114 = arith.constant 224 : index
    %swap3A_115 = tpu.vector_load %arg6[%swap3A_114] {strides = array<i32>} : memref<640xf32, #tpu.memory_space<vmem>>, vector<16xf32>,
    %swap3A_116 = vector.shape_cast %swap3A_115 : vector<16xf32> to vector<16xf32>
    %swap3A_117 = vector.shape_cast %broadcast_in_dim3A_113 : vector<16xf32> to vector<16xf32>
    tpu.vector_store %arg6[%swap3A_114], %swap3A_117 {strides = array<i32>} : memref<640xf32, #tpu.memory_space<vmem>>, vector<16xf32>,
    %broadcast_in_dim3A_118 = arith.constant 0.000000e+00 : f32
    %broadcast_in_dim3A_119 = vector.broadcast %broadcast_in_dim3A_118 : f32 to vector<16xf32>
    %swap3A_120 = arith.constant 240 : index
    %swap3A_121 = tpu.vector_load %arg6[%swap3A_120] {strides = array<i32>} : memref<640xf32, #tpu.memory_space<vmem>>, vector<16xf32>,
    %swap3A_122 = vector.shape_cast %swap3A_121 : vector<16xf32> to vector<16xf32>
    %swap3A_123 = vector.shape_cast %broadcast_in_dim3A_119 : vector<16xf32> to vector<16xf32>
    tpu.vector_store %arg6[%swap3A_120], %swap3A_123 {strides = array<i32>} : memref<640xf32, #tpu.memory_space<vmem>>, vector<16xf32>,
    %broadcast_in_dim3A_124 = arith.constant 0.000000e+00 : f32
    %broadcast_in_dim3A_125 = vector.broadcast %broadcast_in_dim3A_124 : f32 to vector<16xf32>
    %swap3A_126 = arith.constant 256 : index
    %swap3A_127 = tpu.vector_load %arg6[%swap3A_126] {strides = array<i32>} : memref<640xf32, #tpu.memory_space<vmem>>, vector<16xf32>,
    %swap3A_128 = vector.shape_cast %swap3A_127 : vector<16xf32> to vector<16xf32>
    %swap3A_129 = vector.shape_cast %broadcast_in_dim3A_125 : vector<16xf32> to vector<16xf32>
    tpu.vector_store %arg6[%swap3A_126], %swap3A_129 {strides = array<i32>} : memref<640xf32, #tpu.memory_space<vmem>>, vector<16xf32>,
    %broadcast_in_dim3A_130 = arith.constant 0.000000e+00 : f32
    %broadcast_in_dim3A_131 = vector.broadcast %broadcast_in_dim3A_130 : f32 to vector<16xf32>
    %swap3A_132 = arith.constant 272 : index
    %swap3A_133 = tpu.vector_load %arg6[%swap3A_132] {strides = array<i32>} : memref<640xf32, #tpu.memory_space<vmem>>, vector<16xf32>,
    %swap3A_134 = vector.shape_cast %swap3A_133 : vector<16xf32> to vector<16xf32>
    %swap3A_135 = vector.shape_cast %broadcast_in_dim3A_131 : vector<16xf32> to vector<16xf32>
    tpu.vector_store %arg6[%swap3A_132], %swap3A_135 {strides = array<i32>} : memref<640xf32, #tpu.memory_space<vmem>>, vector<16xf32>,
    %broadcast_in_dim3A_136 = arith.constant 0.000000e+00 : f32
    %broadcast_in_dim3A_137 = vector.broadcast %broadcast_in_dim3A_136 : f32 to vector<16xf32>
    %swap3A_138 = arith.constant 288 : index
    %swap3A_139 = tpu.vector_load %arg6[%swap3A_138] {strides = array<i32>} : memref<640xf32, #tpu.memory_space<vmem>>, vector<16xf32>,
    %swap3A_140 = vector.shape_cast %swap3A_139 : vector<16xf32> to vector<16xf32>
    %swap3A_141 = vector.shape_cast %broadcast_in_dim3A_137 : vector<16xf32> to vector<16xf32>
    tpu.vector_store %arg6[%swap3A_138], %swap3A_141 {strides = array<i32>} : memref<640xf32, #tpu.memory_space<vmem>>, vector<16xf32>,
    %broadcast_in_dim3A_142 = arith.constant 0.000000e+00 : f32
    %broadcast_in_dim3A_143 = vector.broadcast %broadcast_in_dim3A_142 : f32 to vector<16xf32>
    %swap3A_144 = arith.constant 304 : index
    %swap3A_145 = tpu.vector_load %arg6[%swap3A_144] {strides = array<i32>} : memref<640xf32, #tpu.memory_space<vmem>>, vector<16xf32>,
    %swap3A_146 = vector.shape_cast %swap3A_145 : vector<16xf32> to vector<16xf32>
    %swap3A_147 = vector.shape_cast %broadcast_in_dim3A_143 : vector<16xf32> to vector<16xf32>
    tpu.vector_store %arg6[%swap3A_144], %swap3A_147 {strides = array<i32>} : memref<640xf32, #tpu.memory_space<vmem>>, vector<16xf32>,
    %broadcast_in_dim3A_148 = arith.constant 0.000000e+00 : f32
    %broadcast_in_dim3A_149 = vector.broadcast %broadcast_in_dim3A_148 : f32 to vector<16xf32>
    %swap3A_150 = arith.constant 320 : index
    %swap3A_151 = tpu.vector_load %arg6[%swap3A_150] {strides = array<i32>} : memref<640xf32, #tpu.memory_space<vmem>>, vector<16xf32>,
    %swap3A_152 = vector.shape_cast %swap3A_151 : vector<16xf32> to vector<16xf32>
    %swap3A_153 = vector.shape_cast %broadcast_in_dim3A_149 : vector<16xf32> to vector<16xf32>
    tpu.vector_store %arg6[%swap3A_150], %swap3A_153 {strides = array<i32>} : memref<640xf32, #tpu.memory_space<vmem>>, vector<16xf32>,
    %broadcast_in_dim3A_154 = arith.constant 0.000000e+00 : f32
    %broadcast_in_dim3A_155 = vector.broadcast %broadcast_in_dim3A_154 : f32 to vector<16xf32>
    %swap3A_156 = arith.constant 336 : index
    %swap3A_157 = tpu.vector_load %arg6[%swap3A_156] {strides = array<i32>} : memref<640xf32, #tpu.memory_space<vmem>>, vector<16xf32>,
    %swap3A_158 = vector.shape_cast %swap3A_157 : vector<16xf32> to vector<16xf32>
    %swap3A_159 = vector.shape_cast %broadcast_in_dim3A_155 : vector<16xf32> to vector<16xf32>
    tpu.vector_store %arg6[%swap3A_156], %swap3A_159 {strides = array<i32>} : memref<640xf32, #tpu.memory_space<vmem>>, vector<16xf32>,
    %broadcast_in_dim3A_160 = arith.constant 0.000000e+00 : f32
    %broadcast_in_dim3A_161 = vector.broadcast %broadcast_in_dim3A_160 : f32 to vector<16xf32>
    %swap3A_162 = arith.constant 352 : index
    %swap3A_163 = tpu.vector_load %arg6[%swap3A_162] {strides = array<i32>} : memref<640xf32, #tpu.memory_space<vmem>>, vector<16xf32>,
    %swap3A_164 = vector.shape_cast %swap3A_163 : vector<16xf32> to vector<16xf32>
    %swap3A_165 = vector.shape_cast %broadcast_in_dim3A_161 : vector<16xf32> to vector<16xf32>
    tpu.vector_store %arg6[%swap3A_162], %swap3A_165 {strides = array<i32>} : memref<640xf32, #tpu.memory_space<vmem>>, vector<16xf32>,
    %broadcast_in_dim3A_166 = arith.constant 0.000000e+00 : f32
    %broadcast_in_dim3A_167 = vector.broadcast %broadcast_in_dim3A_166 : f32 to vector<16xf32>
    %swap3A_168 = arith.constant 368 : index
    %swap3A_169 = tpu.vector_load %arg6[%swap3A_168] {strides = array<i32>} : memref<640xf32, #tpu.memory_space<vmem>>, vector<16xf32>,
    %swap3A_170 = vector.shape_cast %swap3A_169 : vector<16xf32> to vector<16xf32>
    %swap3A_171 = vector.shape_cast %broadcast_in_dim3A_167 : vector<16xf32> to vector<16xf32>
    tpu.vector_store %arg6[%swap3A_168], %swap3A_171 {strides = array<i32>} : memref<640xf32, #tpu.memory_space<vmem>>, vector<16xf32>,
    %broadcast_in_dim3A_172 = arith.constant 0.000000e+00 : f32
    %broadcast_in_dim3A_173 = vector.broadcast %broadcast_in_dim3A_172 : f32 to vector<16xf32>
    %swap3A_174 = arith.constant 384 : index
    %swap3A_175 = tpu.vector_load %arg6[%swap3A_174] {strides = array<i32>} : memref<640xf32, #tpu.memory_space<vmem>>, vector<16xf32>,
    %swap3A_176 = vector.shape_cast %swap3A_175 : vector<16xf32> to vector<16xf32>
    %swap3A_177 = vector.shape_cast %broadcast_in_dim3A_173 : vector<16xf32> to vector<16xf32>
    tpu.vector_store %arg6[%swap3A_174], %swap3A_177 {strides = array<i32>} : memref<640xf32, #tpu.memory_space<vmem>>, vector<16xf32>,
    %broadcast_in_dim3A_178 = arith.constant 0.000000e+00 : f32
    %broadcast_in_dim3A_179 = vector.broadcast %broadcast_in_dim3A_178 : f32 to vector<16xf32>
    %swap3A_180 = arith.constant 400 : index
    %swap3A_181 = tpu.vector_load %arg6[%swap3A_180] {strides = array<i32>} : memref<640xf32, #tpu.memory_space<vmem>>, vector<16xf32>,
    %swap3A_182 = vector.shape_cast %swap3A_181 : vector<16xf32> to vector<16xf32>
    %swap3A_183 = vector.shape_cast %broadcast_in_dim3A_179 : vector<16xf32> to vector<16xf32>
    tpu.vector_store %arg6[%swap3A_180], %swap3A_183 {strides = array<i32>} : memref<640xf32, #tpu.memory_space<vmem>>, vector<16xf32>,
    %broadcast_in_dim3A_184 = arith.constant 0.000000e+00 : f32
    %broadcast_in_dim3A_185 = vector.broadcast %broadcast_in_dim3A_184 : f32 to vector<16xf32>
    %swap3A_186 = arith.constant 416 : index
    %swap3A_187 = tpu.vector_load %arg6[%swap3A_186] {strides = array<i32>} : memref<640xf32, #tpu.memory_space<vmem>>, vector<16xf32>,
    %swap3A_188 = vector.shape_cast %swap3A_187 : vector<16xf32> to vector<16xf32>
    %swap3A_189 = vector.shape_cast %broadcast_in_dim3A_185 : vector<16xf32> to vector<16xf32>
    tpu.vector_store %arg6[%swap3A_186], %swap3A_189 {strides = array<i32>} : memref<640xf32, #tpu.memory_space<vmem>>, vector<16xf32>,
    %broadcast_in_dim3A_190 = arith.constant 0.000000e+00 : f32
    %broadcast_in_dim3A_191 = vector.broadcast %broadcast_in_dim3A_190 : f32 to vector<16xf32>
    %swap3A_192 = arith.constant 432 : index
    %swap3A_193 = tpu.vector_load %arg6[%swap3A_192] {strides = array<i32>} : memref<640xf32, #tpu.memory_space<vmem>>, vector<16xf32>,
    %swap3A_194 = vector.shape_cast %swap3A_193 : vector<16xf32> to vector<16xf32>
    %swap3A_195 = vector.shape_cast %broadcast_in_dim3A_191 : vector<16xf32> to vector<16xf32>
    tpu.vector_store %arg6[%swap3A_192], %swap3A_195 {strides = array<i32>} : memref<640xf32, #tpu.memory_space<vmem>>, vector<16xf32>,
    %broadcast_in_dim3A_196 = arith.constant 0.000000e+00 : f32
    %broadcast_in_dim3A_197 = vector.broadcast %broadcast_in_dim3A_196 : f32 to vector<16xf32>
    %swap3A_198 = arith.constant 448 : index
    %swap3A_199 = tpu.vector_load %arg6[%swap3A_198] {strides = array<i32>} : memref<640xf32, #tpu.memory_space<vmem>>, vector<16xf32>,
    %swap3A_200 = vector.shape_cast %swap3A_199 : vector<16xf32> to vector<16xf32>
    %swap3A_201 = vector.shape_cast %broadcast_in_dim3A_197 : vector<16xf32> to vector<16xf32>
    tpu.vector_store %arg6[%swap3A_198], %swap3A_201 {strides = array<i32>} : memref<640xf32, #tpu.memory_space<vmem>>, vector<16xf32>,
    %broadcast_in_dim3A_202 = arith.constant 0.000000e+00 : f32
    %broadcast_in_dim3A_203 = vector.broadcast %broadcast_in_dim3A_202 : f32 to vector<16xf32>
    %swap3A_204 = arith.constant 464 : index
    %swap3A_205 = tpu.vector_load %arg6[%swap3A_204] {strides = array<i32>} : memref<640xf32, #tpu.memory_space<vmem>>, vector<16xf32>,
    %swap3A_206 = vector.shape_cast %swap3A_205 : vector<16xf32> to vector<16xf32>
    %swap3A_207 = vector.shape_cast %broadcast_in_dim3A_203 : vector<16xf32> to vector<16xf32>
    tpu.vector_store %arg6[%swap3A_204], %swap3A_207 {strides = array<i32>} : memref<640xf32, #tpu.memory_space<vmem>>, vector<16xf32>,
    %broadcast_in_dim3A_208 = arith.constant 0.000000e+00 : f32
    %broadcast_in_dim3A_209 = vector.broadcast %broadcast_in_dim3A_208 : f32 to vector<16xf32>
    %swap3A_210 = arith.constant 480 : index
    %swap3A_211 = tpu.vector_load %arg6[%swap3A_210] {strides = array<i32>} : memref<640xf32, #tpu.memory_space<vmem>>, vector<16xf32>,
    %swap3A_212 = vector.shape_cast %swap3A_211 : vector<16xf32> to vector<16xf32>
    %swap3A_213 = vector.shape_cast %broadcast_in_dim3A_209 : vector<16xf32> to vector<16xf32>
    tpu.vector_store %arg6[%swap3A_210], %swap3A_213 {strides = array<i32>} : memref<640xf32, #tpu.memory_space<vmem>>, vector<16xf32>,
    %broadcast_in_dim3A_214 = arith.constant 0.000000e+00 : f32
    %broadcast_in_dim3A_215 = vector.broadcast %broadcast_in_dim3A_214 : f32 to vector<16xf32>
    %swap3A_216 = arith.constant 496 : index
    %swap3A_217 = tpu.vector_load %arg6[%swap3A_216] {strides = array<i32>} : memref<640xf32, #tpu.memory_space<vmem>>, vector<16xf32>,
    %swap3A_218 = vector.shape_cast %swap3A_217 : vector<16xf32> to vector<16xf32>
    %swap3A_219 = vector.shape_cast %broadcast_in_dim3A_215 : vector<16xf32> to vector<16xf32>
    tpu.vector_store %arg6[%swap3A_216], %swap3A_219 {strides = array<i32>} : memref<640xf32, #tpu.memory_space<vmem>>, vector<16xf32>,
    %broadcast_in_dim3A_220 = arith.constant 0.000000e+00 : f32
    %broadcast_in_dim3A_221 = vector.broadcast %broadcast_in_dim3A_220 : f32 to vector<16xf32>
    %swap3A_222 = arith.constant 512 : index
    %swap3A_223 = tpu.vector_load %arg6[%swap3A_222] {strides = array<i32>} : memref<640xf32, #tpu.memory_space<vmem>>, vector<16xf32>,
    %swap3A_224 = vector.shape_cast %swap3A_223 : vector<16xf32> to vector<16xf32>
    %swap3A_225 = vector.shape_cast %broadcast_in_dim3A_221 : vector<16xf32> to vector<16xf32>
    tpu.vector_store %arg6[%swap3A_222], %swap3A_225 {strides = array<i32>} : memref<640xf32, #tpu.memory_space<vmem>>, vector<16xf32>,
    %broadcast_in_dim3A_226 = arith.constant 0.000000e+00 : f32
    %broadcast_in_dim3A_227 = vector.broadcast %broadcast_in_dim3A_226 : f32 to vector<16xf32>
    %swap3A_228 = arith.constant 528 : index
    %swap3A_229 = tpu.vector_load %arg6[%swap3A_228] {strides = array<i32>} : memref<640xf32, #tpu.memory_space<vmem>>, vector<16xf32>,
    %swap3A_230 = vector.shape_cast %swap3A_229 : vector<16xf32> to vector<16xf32>
    %swap3A_231 = vector.shape_cast %broadcast_in_dim3A_227 : vector<16xf32> to vector<16xf32>
    tpu.vector_store %arg6[%swap3A_228], %swap3A_231 {strides = array<i32>} : memref<640xf32, #tpu.memory_space<vmem>>, vector<16xf32>,
    %broadcast_in_dim3A_232 = arith.constant 0.000000e+00 : f32
    %broadcast_in_dim3A_233 = vector.broadcast %broadcast_in_dim3A_232 : f32 to vector<16xf32>
    %swap3A_234 = arith.constant 544 : index
    %swap3A_235 = tpu.vector_load %arg6[%swap3A_234] {strides = array<i32>} : memref<640xf32, #tpu.memory_space<vmem>>, vector<16xf32>,
    %swap3A_236 = vector.shape_cast %swap3A_235 : vector<16xf32> to vector<16xf32>
    %swap3A_237 = vector.shape_cast %broadcast_in_dim3A_233 : vector<16xf32> to vector<16xf32>
    tpu.vector_store %arg6[%swap3A_234], %swap3A_237 {strides = array<i32>} : memref<640xf32, #tpu.memory_space<vmem>>, vector<16xf32>,
    %broadcast_in_dim3A_238 = arith.constant 0.000000e+00 : f32
    %broadcast_in_dim3A_239 = vector.broadcast %broadcast_in_dim3A_238 : f32 to vector<16xf32>
    %swap3A_240 = arith.constant 560 : index
    %swap3A_241 = tpu.vector_load %arg6[%swap3A_240] {strides = array<i32>} : memref<640xf32, #tpu.memory_space<vmem>>, vector<16xf32>,
    %swap3A_242 = vector.shape_cast %swap3A_241 : vector<16xf32> to vector<16xf32>
    %swap3A_243 = vector.shape_cast %broadcast_in_dim3A_239 : vector<16xf32> to vector<16xf32>
    tpu.vector_store %arg6[%swap3A_240], %swap3A_243 {strides = array<i32>} : memref<640xf32, #tpu.memory_space<vmem>>, vector<16xf32>,
    %broadcast_in_dim3A_244 = arith.constant 0.000000e+00 : f32
    %broadcast_in_dim3A_245 = vector.broadcast %broadcast_in_dim3A_244 : f32 to vector<16xf32>
    %swap3A_246 = arith.constant 576 : index
    %swap3A_247 = tpu.vector_load %arg6[%swap3A_246] {strides = array<i32>} : memref<640xf32, #tpu.memory_space<vmem>>, vector<16xf32>,
    %swap3A_248 = vector.shape_cast %swap3A_247 : vector<16xf32> to vector<16xf32>
    %swap3A_249 = vector.shape_cast %broadcast_in_dim3A_245 : vector<16xf32> to vector<16xf32>
    tpu.vector_store %arg6[%swap3A_246], %swap3A_249 {strides = array<i32>} : memref<640xf32, #tpu.memory_space<vmem>>, vector<16xf32>,
    %broadcast_in_dim3A_250 = arith.constant 0.000000e+00 : f32
    %broadcast_in_dim3A_251 = vector.broadcast %broadcast_in_dim3A_250 : f32 to vector<16xf32>
    %swap3A_252 = arith.constant 592 : index
    %swap3A_253 = tpu.vector_load %arg6[%swap3A_252] {strides = array<i32>} : memref<640xf32, #tpu.memory_space<vmem>>, vector<16xf32>,
    %swap3A_254 = vector.shape_cast %swap3A_253 : vector<16xf32> to vector<16xf32>
    %swap3A_255 = vector.shape_cast %broadcast_in_dim3A_251 : vector<16xf32> to vector<16xf32>
    tpu.vector_store %arg6[%swap3A_252], %swap3A_255 {strides = array<i32>} : memref<640xf32, #tpu.memory_space<vmem>>, vector<16xf32>,
    %broadcast_in_dim3A_256 = arith.constant 0.000000e+00 : f32
    %broadcast_in_dim3A_257 = vector.broadcast %broadcast_in_dim3A_256 : f32 to vector<16xf32>
    %swap3A_258 = arith.constant 608 : index
    %swap3A_259 = tpu.vector_load %arg6[%swap3A_258] {strides = array<i32>} : memref<640xf32, #tpu.memory_space<vmem>>, vector<16xf32>,
    %swap3A_260 = vector.shape_cast %swap3A_259 : vector<16xf32> to vector<16xf32>
    %swap3A_261 = vector.shape_cast %broadcast_in_dim3A_257 : vector<16xf32> to vector<16xf32>
    tpu.vector_store %arg6[%swap3A_258], %swap3A_261 {strides = array<i32>} : memref<640xf32, #tpu.memory_space<vmem>>, vector<16xf32>,
    %broadcast_in_dim3A_262 = arith.constant 0.000000e+00 : f32
    %broadcast_in_dim3A_263 = vector.broadcast %broadcast_in_dim3A_262 : f32 to vector<16xf32>
    %swap3A_264 = arith.constant 624 : index
    %swap3A_265 = tpu.vector_load %arg6[%swap3A_264] {strides = array<i32>} : memref<640xf32, #tpu.memory_space<vmem>>, vector<16xf32>,
    %swap3A_266 = vector.shape_cast %swap3A_265 : vector<16xf32> to vector<16xf32>
    %swap3A_267 = vector.shape_cast %broadcast_in_dim3A_263 : vector<16xf32> to vector<16xf32>
    tpu.vector_store %arg6[%swap3A_264], %swap3A_267 {strides = array<i32>} : memref<640xf32, #tpu.memory_space<vmem>>, vector<16xf32>,
    %mul3A = arith.constant 640 : i32
    %mul3A_268 = arith.muli %arg1, %mul3A : i32
    "tpu.region"() ({
      %run_scoped3A = tpu.sem_alloc : memref<!tpu.dma_semaphore, #tpu.memory_space<semaphore_mem>>
      %dma_start3A = tpu.memref_slice %arg7[%mul3A_268] : memref<10240xf32, #tpu.memory_space<vmem_shared>> -> memref<640xf32, #tpu.memory_space<vmem_shared>>
      %dma_start3A_279 = tpu.memref_slice %arg7[%mul3A_268] : memref<10240xf32, #tpu.memory_space<vmem_shared>> -> memref<640xf32, #tpu.memory_space<vmem_shared>>
      tpu.enqueue_dma source(%arg6 : memref<640xf32, #tpu.memory_space<vmem>>) target(%dma_start3A_279 : memref<640xf32, #tpu.memory_space<vmem_shared>>) target_semaphore(%run_scoped3A : memref<!tpu.dma_semaphore, #tpu.memory_space<semaphore_mem>>)
      %dma_wait3A = tpu.memref_slice %arg7[%mul3A_268] : memref<10240xf32, #tpu.memory_space<vmem_shared>> -> memref<640xf32, #tpu.memory_space<vmem_shared>>
      %dma_wait3A_280 = tpu.memref_slice %arg7[%mul3A_268] : memref<10240xf32, #tpu.memory_space<vmem_shared>> -> memref<640xf32, #tpu.memory_space<vmem_shared>>
      tpu.wait_dma2 semaphore(%run_scoped3A : memref<!tpu.dma_semaphore, #tpu.memory_space<semaphore_mem>>) src(%arg6 : memref<640xf32, #tpu.memory_space<vmem>>) dst(%dma_wait3A_280 : memref<640xf32, #tpu.memory_space<vmem_shared>>)
      tpu.yield
    }) : () -> ()
    %barrier3A = arith.constant 0 : index
    tpu.barrier barrier_id(%barrier3A)
    "tpu.region"() ({
      %run_scoped3A = tpu.sem_alloc : memref<!tpu.dma_semaphore, #tpu.memory_space<semaphore_mem>>
      %dma_start3A = arith.constant 0 : i32
      %dma_start3A_279 = arith.constant 0 : i32
      %dma_start3A_280 = tpu.memref_slice %arg2[%arg0, %arg1, %dma_start3A, %dma_start3A_279] : memref<2x16x125x80xi32, #tpu.memory_space<hbm>> -> memref<1x1x125x80xi32, #tpu.memory_space<hbm>>
      %dma_start3A_281 = tpu.memref_squeeze %dma_start3A_280 : memref<1x1x125x80xi32, #tpu.memory_space<hbm>> -> memref<125x80xi32, #tpu.memory_space<hbm>>
      %dma_start3A_282 = arith.constant 0 : i32
      %dma_start3A_283 = arith.constant 0 : i32
      %dma_start3A_284 = tpu.memref_slice %arg2[%arg0, %arg1, %dma_start3A_282, %dma_start3A_283] : memref<2x16x125x80xi32, #tpu.memory_space<hbm>> -> memref<1x1x125x80xi32, #tpu.memory_space<hbm>>
      %dma_start3A_285 = tpu.memref_squeeze %dma_start3A_284 : memref<1x1x125x80xi32, #tpu.memory_space<hbm>> -> memref<125x80xi32, #tpu.memory_space<hbm>>
      tpu.enqueue_dma source(%dma_start3A_285 : memref<125x80xi32, #tpu.memory_space<hbm>>) target(%arg4 : memref<125x80xi32, #tpu.memory_space<vmem>>) target_semaphore(%run_scoped3A : memref<!tpu.dma_semaphore, #tpu.memory_space<semaphore_mem>>)
      %dma_wait3A = arith.constant 0 : i32
      %dma_wait3A_286 = arith.constant 0 : i32
      %dma_wait3A_287 = tpu.memref_slice %arg2[%arg0, %arg1, %dma_wait3A, %dma_wait3A_286] : memref<2x16x125x80xi32, #tpu.memory_space<hbm>> -> memref<1x1x125x80xi32, #tpu.memory_space<hbm>>
      %dma_wait3A_288 = tpu.memref_squeeze %dma_wait3A_287 : memref<1x1x125x80xi32, #tpu.memory_space<hbm>> -> memref<125x80xi32, #tpu.memory_space<hbm>>
      %dma_wait3A_289 = arith.constant 0 : i32
      %dma_wait3A_290 = arith.constant 0 : i32
      %dma_wait3A_291 = tpu.memref_slice %arg2[%arg0, %arg1, %dma_wait3A_289, %dma_wait3A_290] : memref<2x16x125x80xi32, #tpu.memory_space<hbm>> -> memref<1x1x125x80xi32, #tpu.memory_space<hbm>>
      %dma_wait3A_292 = tpu.memref_squeeze %dma_wait3A_291 : memref<1x1x125x80xi32, #tpu.memory_space<hbm>> -> memref<125x80xi32, #tpu.memory_space<hbm>>
      tpu.wait_dma2 semaphore(%run_scoped3A : memref<!tpu.dma_semaphore, #tpu.memory_space<semaphore_mem>>) src(%dma_wait3A_292 : memref<125x80xi32, #tpu.memory_space<hbm>>) dst(%arg4 : memref<125x80xi32, #tpu.memory_space<vmem>>)
      tpu.yield
    }) : () -> ()
    %scan3A = arith.constant 0 : i32
    %scan3A_269 = arith.constant 0 : i32
    %scan3A_270 = arith.constant 125 : i32
    %scan3A_271 = arith.addi %scan3A_269, %scan3A_270 : i32
    %scan3A_272 = arith.constant 1 : i32
    scf.for %scan3A_279 = %scan3A_269 to %scan3A_271 step %scan3A_272  : i32 {
      "tpu.region"() ({
        %run_scoped3A = tpu.sem_alloc : memref<!tpu.dma_semaphore, #tpu.memory_space<semaphore_mem>>
        %dma_start3A = arith.constant 0 : i32
        %dma_start3A_280 = tpu.memref_slice %arg4[%scan3A_279, %dma_start3A] : memref<125x80xi32, #tpu.memory_space<vmem>> -> memref<1x80xi32, #tpu.memory_space<vmem>>
        %dma_start3A_281 = tpu.memref_squeeze %dma_start3A_280 : memref<1x80xi32, #tpu.memory_space<vmem>> -> memref<80xi32, #tpu.memory_space<vmem>>
        %dma_start3A_282 = arith.constant 0 : i32
        %dma_start3A_283 = tpu.memref_slice %arg7[%dma_start3A_282] : memref<10240xf32, #tpu.memory_space<vmem_shared>> -> memref<10240xf32, #tpu.memory_space<vmem_shared>>
        tpu.enqueue_indirect_dma source(%arg5 : memref<80xf32, #tpu.memory_space<vmem>>) target(%dma_start3A_283 : memref<10240xf32, #tpu.memory_space<vmem_shared>>) offsets(%dma_start3A_281 : memref<80xi32, #tpu.memory_space<vmem>>) semaphore(%run_scoped3A : memref<!tpu.dma_semaphore, #tpu.memory_space<semaphore_mem>>) {add = true}
        %dma_wait3A = arith.constant 0 : i32
        %dma_wait3A_284 = tpu.memref_slice %arg4[%scan3A_279, %dma_wait3A] : memref<125x80xi32, #tpu.memory_space<vmem>> -> memref<1x80xi32, #tpu.memory_space<vmem>>
        %dma_wait3A_285 = tpu.memref_squeeze %dma_wait3A_284 : memref<1x80xi32, #tpu.memory_space<vmem>> -> memref<80xi32, #tpu.memory_space<vmem>>
        %dma_wait3A_286 = arith.constant 0 : i32
        %dma_wait3A_287 = tpu.memref_slice %arg7[%dma_wait3A_286] : memref<10240xf32, #tpu.memory_space<vmem_shared>> -> memref<10240xf32, #tpu.memory_space<vmem_shared>>
        tpu.wait_indirect_dma semaphore(%run_scoped3A : memref<!tpu.dma_semaphore, #tpu.memory_space<semaphore_mem>>) src(%arg5 : memref<80xf32, #tpu.memory_space<vmem>>) dst(%dma_wait3A_287 : memref<10240xf32, #tpu.memory_space<vmem_shared>>)
        tpu.yield
      }) : () -> ()
    }
    %scan3A_273 = arith.constant 125 : i32
    %barrier3A_274 = arith.constant 0 : index
    tpu.barrier barrier_id(%barrier3A_274)
    %mul3A_275 = arith.constant 640 : i32
    %mul3A_276 = arith.muli %arg1, %mul3A_275 : i32
    "tpu.region"() ({
      %run_scoped3A = tpu.sem_alloc : memref<!tpu.dma_semaphore, #tpu.memory_space<semaphore_mem>>
      %dma_start3A = tpu.memref_slice %arg7[%mul3A_276] : memref<10240xf32, #tpu.memory_space<vmem_shared>> -> memref<640xf32, #tpu.memory_space<vmem_shared>>
      %dma_start3A_279 = tpu.memref_slice %arg7[%mul3A_276] : memref<10240xf32, #tpu.memory_space<vmem_shared>> -> memref<640xf32, #tpu.memory_space<vmem_shared>>
      tpu.enqueue_dma source(%dma_start3A_279 : memref<640xf32, #tpu.memory_space<vmem_shared>>) target(%arg6 : memref<640xf32, #tpu.memory_space<vmem>>) target_semaphore(%run_scoped3A : memref<!tpu.dma_semaphore, #tpu.memory_space<semaphore_mem>>)
      %dma_wait3A = tpu.memref_slice %arg7[%mul3A_276] : memref<10240xf32, #tpu.memory_space<vmem_shared>> -> memref<640xf32, #tpu.memory_space<vmem_shared>>
      %dma_wait3A_280 = tpu.memref_slice %arg7[%mul3A_276] : memref<10240xf32, #tpu.memory_space<vmem_shared>> -> memref<640xf32, #tpu.memory_space<vmem_shared>>
      tpu.wait_dma2 semaphore(%run_scoped3A : memref<!tpu.dma_semaphore, #tpu.memory_space<semaphore_mem>>) src(%dma_wait3A_280 : memref<640xf32, #tpu.memory_space<vmem_shared>>) dst(%arg6 : memref<640xf32, #tpu.memory_space<vmem>>)
      tpu.yield
    }) : () -> ()
    %mul3A_277 = arith.constant 640 : i32
    %mul3A_278 = arith.muli %arg1, %mul3A_277 : i32
    "tpu.region"() ({
      %run_scoped3A = tpu.sem_alloc : memref<!tpu.dma_semaphore, #tpu.memory_space<semaphore_mem>>
      %dma_start3A = tpu.memref_slice %arg3[%arg0, %mul3A_278] : memref<2x10240xf32, #tpu.memory_space<hbm>> -> memref<1x640xf32, #tpu.memory_space<hbm>>
      %dma_start3A_279 = tpu.memref_squeeze %dma_start3A : memref<1x640xf32, #tpu.memory_space<hbm>> -> memref<640xf32, #tpu.memory_space<hbm>>
      %dma_start3A_280 = tpu.memref_slice %arg3[%arg0, %mul3A_278] : memref<2x10240xf32, #tpu.memory_space<hbm>> -> memref<1x640xf32, #tpu.memory_space<hbm>>
      %dma_start3A_281 = tpu.memref_squeeze %dma_start3A_280 : memref<1x640xf32, #tpu.memory_space<hbm>> -> memref<640xf32, #tpu.memory_space<hbm>>
      tpu.enqueue_dma source(%arg6 : memref<640xf32, #tpu.memory_space<vmem>>) target(%dma_start3A_281 : memref<640xf32, #tpu.memory_space<hbm>>) target_semaphore(%run_scoped3A : memref<!tpu.dma_semaphore, #tpu.memory_space<semaphore_mem>>)
      %dma_wait3A = tpu.memref_slice %arg3[%arg0, %mul3A_278] : memref<2x10240xf32, #tpu.memory_space<hbm>> -> memref<1x640xf32, #tpu.memory_space<hbm>>
      %dma_wait3A_282 = tpu.memref_squeeze %dma_wait3A : memref<1x640xf32, #tpu.memory_space<hbm>> -> memref<640xf32, #tpu.memory_space<hbm>>
      %dma_wait3A_283 = tpu.memref_slice %arg3[%arg0, %mul3A_278] : memref<2x10240xf32, #tpu.memory_space<hbm>> -> memref<1x640xf32, #tpu.memory_space<hbm>>
      %dma_wait3A_284 = tpu.memref_squeeze %dma_wait3A_283 : memref<1x640xf32, #tpu.memory_space<hbm>> -> memref<640xf32, #tpu.memory_space<hbm>>
      tpu.wait_dma2 semaphore(%run_scoped3A : memref<!tpu.dma_semaphore, #tpu.memory_space<semaphore_mem>>) src(%arg6 : memref<640xf32, #tpu.memory_space<vmem>>) dst(%dma_wait3A_284 : memref<640xf32, #tpu.memory_space<hbm>>)
      tpu.yield
    }) : () -> ()
    return
  }
}

</mosaic_0001>

<sc_bundles>
// kernel: _deg_kernel.3.cloned.1.call-start
scs
__scs_entry_jumppad:
0x0: {  	(pc) =	sbr.rel $0x88, $3  }
0x1: {  	(tag) =	ssettag $0x0;
	lr =	simm.s32 $0x1  }
0x2: {  	[smem:$0x3FA0] =	sst lr;
	_ =	strace $0xD0000000  }
0x3: {  	_ = 	snop  }
0x4: {  	_ = 	snop  }
0x5: {  	_ = 	snop  }
0x6: {  	_ = 	snop  }
0x7: {  	_ = 	snop  }
__scs_overlays_trampoline_lowered:
0x8: {  	[smem:$0x3FAF] =	sst s0  }
0x9: {  	[smem:$0x3FB0] =	sst s1  }
0xa: {  	[smem:$0x3FB1] =	sst s2  }
0xb: {  	[smem:$0x3FB2] =	sst s3  }
0xc: {  	[smem:$0x3FB3] =	sst s4  }
0xd: {  	[smem:$0x3FB4] =	sst s5  }
0xe: {  	[smem:$0x3FB5] =	sst s6  }
0xf: {  	[smem:$0x3FB6] =	sst s7  }
0x10: {  	[smem:$0x3FB7] =	sst s8  }
0x11: {  	[smem:$0x3FB8] =	sst s9;
	s0 =	simm.s32 @!p0 $0x0  }
0x12: {  	s1 =	sld [smem:$0x3F9E];
	s0 =	simm.s32 @p0 $0x1  }
0x13: {  	[smem:$0x3FB9] =	sst s0;
	s0 =	simm.s32 @!p1 $0x0  }
0x14: {  	s2 =	sld [smem:$0x3F9D];
	s0 =	simm.s32 @p1 $0x1  }
0x15: {  	[smem:$0x3FBA] =	sst s0;
	s0 =	simm.s32 @!p2 $0x0  }
0x16: {  	s3 =	sld [smem:$0x3FDB];
	s0 =	simm.s32 @p2 $0x1  }
0x17: {  	s4 =	simm.s32 $0x1BF5;
	[smem:$0x3FBC] =	sst s0  }
0x18: {  	s0 =	sld [smem:$0x3F9F];
	_ =	swait.ge [sflag:s4], $0x0  }
0x19: {  	s7 =	sld [smem:$0x3FA0]  }
0x1a: {  	s8 =	sadd.s32 $0xFFFFE003, lr  }
0x1b: {  	s9 =	sadd.s32 $0xFFFFFEF7, lr;
	s5 =	simm.s32 $0xFFFFFFFF;
	p2 =	slt.u32 s8, $0xFFFFF086  }
0x1c: {  	p1 =	slt.u32 s9, $0xF7A;
	s5 =	simm.s32 @!p2 $0x0  }
0x1d: {  	s5 =	simm.s32 @p1 $0x1;
	p0 =	seq.s32 s7, s2  }
0x1e: {  	s7 =	smul.u32 @!p0 $0xF7A, s2;
	p2 =	seq.s32 @!p0 s5, $0x0  }
0x1f: {  	s9 =	smul.u32 $0xF7A, s1;
	s8 =	simm.s32 @!p0 $0x1BF5;
	p2 =	por !p2, p0  }
0x20: {  	[sflag:s8] =	ssyncset.s32 @!p0 $0xFFFFF086;
	s6 =	sadd.s32 @!p0 s3, s7;
	s7 =	simm.s32 @!p0 $0x108  }
0x21: {  	s3 =	sadd.s32 s3, s9;
	s6 =	sadd.s32 @!p0 $0x88, s6;
	s7 =	simm.s32 @p2 $0x1082  }
0x22: {  	[simem:s7], [sflag:s8] =	dma.local @!p0 [hbm:s6], $0xF7A  }
0x23: {  	s9 =	sor.u32 $0xD0000000, s2;
	s6 =	simm.s32 $0x108;
	_ =	swait.ge @!p0 [sflag:s8], $0x0  }
0x24: {  	s3 =	sadd.s32 $0x88, s3;
	s6 =	simm.s32 @!p1 $0x1082;
	[sflag:s4] =	ssyncset.s32 $0xFFFFF086  }
0x25: {  	[simem:s6], [sflag:s4] =	dma.local [hbm:s3], $0xF7A  }
0x26: {  	[smem:$0x3FA0] =	sst s1;
	(tag) =	ssettag s2;
	_ =	strace s9  }
0x27: {  	s1 =	sld [smem:$0x3FB0]  }
0x28: {  	s2 =	sld [smem:$0x3FB1]  }
0x29: {  	s4 =	sld [smem:$0x3FB3]  }
0x2a: {  	p0 =	seq.s32 s5, $0x0;
	s5 =	sld [smem:$0x3FB4]  }
0x2b: {  	s6 =	sld [smem:$0x3FB5]  }
0x2c: {  	s7 =	sld [smem:$0x3FB6]  }
0x2d: {  	s3 =	simm.s32 $0x108;
	s8 =	sld [smem:$0x3FB7]  }
0x2e: {  	s3 =	simm.s32 @!p0 $0x1082;
	s9 =	sld [smem:$0x3FB8]  }
0x2f: {  	lr =	sadd.s32 s0, s3;
	s0 =	sld [smem:$0x3FAF]  }
0x30: {  	s3 =	sld [smem:$0x3FB2]  }
0x31: {  	[smem:$0x3FBB] =	sst s10  }
0x32: {  	s10 =	sld [smem:$0x3FB9];
	_ =	sdelay $0x3  }
0x33: {  	p0 =	seq.s32 s10, $0x1;
	s10 =	sld [smem:$0x3FBB];
	_ =	sdelay $0x3  }
0x34: {  	[smem:$0x3FBB] =	sst s10  }
0x35: {  	s10 =	sld [smem:$0x3FBA];
	_ =	sdelay $0x3  }
0x36: {  	p1 =	seq.s32 s10, $0x1;
	s10 =	sld [smem:$0x3FBB];
	_ =	sdelay $0x3  }
0x37: {  	[smem:$0x3FBB] =	sst s10  }
0x38: {  	s10 =	sld [smem:$0x3FBC]  }
0x39: {  	_ = 	snop;
	(pc) =	sbr.ind lr, $3  }
0x3a: {  	_ = 	snop  }
0x3b: {  	_ = 	snop  }
0x3c: {  	p2 =	seq.s32 s10, $0x1;
	s10 =	sld [smem:$0x3FBB]  }
0x3d: {  	_ =	shalt  }
0x3e: {  	_ =	shalt  }
0x3f: {  	_ =	shalt  }
0x40: {  	_ =	shalt  }
0x41: {  	_ =	shalt  }
0x42: {  	_ =	shalt  }
0x43: {  	_ =	shalt  }
0x44: {  	_ =	shalt  }
0x45: {  	_ =	shalt  }
0x46: {  	_ =	shalt  }
0x47: {  	_ =	shalt  }
0x48: {  	_ =	shalt  }
0x49: {  	_ =	shalt  }
0x4a: {  	_ =	shalt  }
0x4b: {  	_ =	shalt  }
0x4c: {  	_ =	shalt  }
0x4d: {  	_ =	shalt  }
0x4e: {  	_ =	shalt  }
0x4f: {  	_ =	shalt  }
0x50: {  	_ =	shalt  }
0x51: {  	_ =	shalt  }
0x52: {  	_ =	shalt  }
0x53: {  	_ =	shalt  }
0x54: {  	_ =	shalt  }
0x55: {  	_ =	shalt  }
0x56: {  	_ =	shalt  }
0x57: {  	_ =	shalt  }
0x58: {  	_ =	shalt  }
0x59: {  	_ =	shalt  }
0x5a: {  	_ =	shalt  }
0x5b: {  	_ =	shalt  }
0x5c: {  	_ =	shalt  }
0x5d: {  	_ =	shalt  }
0x5e: {  	_ =	shalt  }
0x5f: {  	_ =	shalt  }
0x60: {  	_ =	shalt  }
0x61: {  	_ =	shalt  }
0x62: {  	_ =	shalt  }
0x63: {  	_ =	shalt  }
0x64: {  	_ =	shalt  }
0x65: {  	_ =	shalt  }
0x66: {  	_ =	shalt  }
0x67: {  	_ =	shalt  }
0x68: {  	_ =	shalt  }
0x69: {  	_ =	shalt  }
0x6a: {  	_ =	shalt  }
0x6b: {  	_ =	shalt  }
0x6c: {  	_ =	shalt  }
0x6d: {  	_ =	shalt  }
0x6e: {  	_ =	shalt  }
0x6f: {  	_ =	shalt  }
0x70: {  	_ =	shalt  }
0x71: {  	_ =	shalt  }
0x72: {  	_ =	shalt  }
0x73: {  	_ =	shalt  }
0x74: {  	_ =	shalt  }
0x75: {  	_ =	shalt  }
0x76: {  	_ =	shalt  }
0x77: {  	_ =	shalt  }
0x78: {  	_ =	shalt  }
0x79: {  	_ =	shalt  }
0x7a: {  	_ =	shalt  }
0x7b: {  	_ =	shalt  }
0x7c: {  	_ =	shalt  }
0x7d: {  	_ =	shalt  }
0x7e: {  	_ =	shalt  }
0x7f: {  	_ =	shalt  }
0x80: {  	_ =	shalt  }
0x81: {  	_ =	shalt  }
0x82: {  	_ =	shalt  }
0x83: {  	_ =	shalt  }
0x84: {  	_ =	shalt  }
0x85: {  	_ =	shalt  }
0x86: {  	_ =	shalt  }
0x87: {  	_ =	shalt  }
.Lfunc_end0:
.L_simem_size_0:
called_computation_lowered:
.L_overlay_start_0:
0x88: {  	s2 =	sld [smem:$0x3FD9]  }
0x89: {  	s3 =	sld [smem:$0x3FFE];
	_ =	sdelay $0x1  }
0x8a: {  	s1 =	srdreg.scid  }
0x8b: {  	s0 =	sand.u32 $0x1, s1  }
0x8c: {  	s17 =	sshll.u32 s0, $0xA;
	s2 =	sadd.s32 s3, s2  }
0x8d: {  	s2 =	sadd.s32 s2, s17  }
0x8e: {  	[smem:$0x3FC7] =	sst s2  }
0x8f: {  	_ = 	snop  }
0x90: {  	s2 =	sld [smem:$0x3FD0];
	(tm) =	ssettm $0x1  }
0x91: {  	s18 =	sld [smem:$0x3FFB];
	_ =	sdelay $0x3  }
0x92: {  	_ =	strace s18  }
0x93: {  	s3 =	sld [smem:$0x3FFC];
	_ =	sdelay $0x3  }
0x94: {  	_ =	strace s3  }
0x95: {  	s3 =	sld [smem:$0x3FFD];
	_ =	sdelay $0x3  }
0x96: {  	_ =	strace s3  }
0x97: {  	_ =	strace $0x8FFFFFFF  }
0x98: {  	s19 =	sld [smem:$0x3FDB];
	_ =	sdelay $0x1  }
0x99: {  	s4 =	simm.s32 $_scs_section_size  }
0x9a: {  	s5 =	simm.s32 $_size__tile_overlayer_lowered;
	s6 =	simm.s32 $_tile_overlayer_lowered  }
0x9b: {  	s22 =	simm.s32 $0x1BFF;
	s21 =	sshll.u32 s6, $0x1;
	s3 =	sadd.s32 s4, s19  }
0x9c: {  	s7 =	simm.s32 $0x0;
	s20 =	sshll.u32 s5, $0x1;
	s5 =	sadd.s32 s21, s3  }
0x9d: {  	[timem:s7], [sflag:s22] =	dma.local [hbm:s5], s20  }
0x9e: {  	_ =	swait.ge [sflag:s22], s20  }
0x9f: {  	s4 =	ssub.s32 $0x0, s20;
	[sflag:s22] =	ssyncset.done $0x0  }
0xa0: {  	[sflag:s22] =	ssyncadd.s32 s4;
	_ =	sdelay $0x1  }
0xa1: {  	s23 =	simm.s32 $0x1B8B  }
0xa2: {  	_ =	swait.ge [sflag:s23], $0x1  }
0xa3: {  	[sflag:s23] =	ssyncset.done $0x0  }
0xa4: {  	s25 =	simm.s32 $0x1B8E;
	s24 =	sld [smem:$0x3FFE];
	[sflag:s23] =	ssyncadd.s32 $0xFFFFFFFF  }
0xa5: {  	s26 =	simm.s32 $execute0_lowered;
	[smem:$0x3FD2] =	sst s25  }
0xa6: {  	s5 =	sshll.u32 s26, $0x1;
	_ =	strace $0x80000046;
	[dreg:$0x1] =	wrdreg $0xFFFFFFFF  }
0xa7: {  	s28 =	simm.s32 $_size_execute0_lowered;
	s3 =	sadd.s32 s3, s5;
	[dreg:$0x0] =	wrdreg $0x0  }
0xa8: {  	s5 =	sshll.u32 s28, $0x1;
	[dreg:$0x2] =	wrdreg s3  }
0xa9: {  	[dreg:$0x3] =	wrdreg s5  }
0xaa: {  	[dreg:$0x4] =	wrdreg $0xC0  }
0xab: {  	_ =	task [dreg:s7], $0x5FFFF  }
0xac: {  	[dreg:$0x1] =	wrdreg $0xFFFFFFFF  }
0xad: {  	[dreg:$0x0] =	wrdreg $0x60  }
0xae: {  	[dreg:$0x2] =	wrdreg s24  }
0xaf: {  	[dreg:$0x3] =	wrdreg s2  }
0xb0: {  	[dreg:$0x4] =	wrdreg $0x43000  }
0xb1: {  	[dreg:$0x5] =	wrdreg $0x9  }
0xb2: {  	_ =	task.clear_ibuf [dreg:s7], $0x6FFFF;
	_ =	strace $0x90000046  }
0xb3: {  	s29 =	simm.s32 $0x9;
	_ =	strace $0x80000048  }
0xb4: {  	_ =	swait.ge [sflag:s29], $0x1  }
0xb5: {  	[sflag:s29] =	ssyncadd.s32 $0xFFFFFFFF  }
0xb6: {  	_ =	strace $0x90000048  }
0xb7: {  	_ =	sfence  }
0xb8: {  	s30 =	sld [smem:$0x0];
	_ =	sdelay $0x2  }
0xb9: {  	s31 =	sshll.u32 s1, $0xD;
	s1 =	sshrl.u32 s1, $0x2  }
0xba: {  	s3 =	sand.u32 $0x4000, s31;
	s1 =	sadd.s32 s1, s30  }
0xbb: {  	s0 =	sor.u32 s3, s0;
	s1 =	sshll.u32 s1, $0x11  }
0xbc: {  	s0 =	sor.u32 s1, s0  }
0xbd: {  	s0 =	sadd.s32 $0x8F2B, s0  }
0xbe: {  	[sflag:s0] =	ssyncadd.remote.s32 $0x1  }
0xbf: {  	_ =	sfence.sel $0xFFFF  }
0xc0: {  	[dreg:$0x0] =	wrdreg $0xFFFFFFFF;
	(pc) =	sbr.abs _section_cstart, $3  }
0xc1: {  	[dreg:$0x1] =	wrdreg $0xFFFFFFFF  }
0xc2: {  	_ =	task.clear_ibuf [dreg:s7], $0x2FFFF;
	_ =	strace $0x9FFFFFFF  }
0xc3: {  	(tm) =	ssettm $0x7FFFFFFF  }
tec
execute0_lowered:
.L_overlay_start_1:
0x0: {  	(tag) =	ssettag $0x1  }
0x1: {  	s4 =	rddreg [dreg:$0x0]  }
0x2: {  	s6 =	rddreg [dreg:$0x1]  }
0x3: {  	s1 =	rddreg [dreg:$0x2]  }
0x4: {  	s0 =	rddreg [dreg:$0x3]  }
0x5: {  	s3 =	simm.s32 $0x0;
	s5 =	srdreg.scid;
	s2 =	stileid.u32  }
0x6: {  	s11 =	simm.s32 $0x4000;
	s12 =	simm.s32 $0x80;
	s13 =	simm.s32 $0x100  }
0x7: {  	s14 =	simm.s32 $0x0;
	[smem:$0x7FF] =	sst s3;
	s9 =	smul.u32 $0xA00, s2  }
0x8: {  	s5 =	sand.u32 $0x1, s5;
	s7 =	sshll.u32 s2, $0xB;
	s10 =	smul.u32 $0x500, s2  }
0x9: {  	_ =	strace $0x80000047;
	s8 =	ssub.s32 $0x2, s5;
	s4 =	sadd.s32 s7, s4  }
0xa: {  	s30 =	sshll.u32 s5, $0xF;
	s5 =	sshll.u32 s5, $0x7;
	s29 =	sshrl.u32 s8, $0x1  }
0xb: {  	s9 =	sshrl.u32 s9, $0x2;
	s10 =	sor.u32 s5, s10;
	s7 =	ssub.s32 s8, s29  }
0xc: {  	s8 =	sadd.s32 s30, s4;
	s4 =	sadd.s32 s9, s1;
	s31 =	sshrl.u32 s10, $0x3  }
0xd: {  	s9 =	simm.s32 $0x1;
	s10 =	simm.s32 $0x50;
	s5 =	sadd.s32 $0x400, s8  }
0xe: {  	v0 =	vimm.f32 $1.000000000e+00;
	v1 =	vimm.f32 $0.0e+00;
	s6 =	sadd.s32 s6, s31;
	s7 =	smax.u32 s7, $0x1;
	s8 =	simm.s32 $0x4080  }
.LBB2_1:
0xf: {  	[tilespmem:$0x4000] =	vst v0  }
0x10: {  	[tilespmem:$0x4010] =	vst v0  }
0x11: {  	[tilespmem:$0x4020] =	vst v0  }
0x12: {  	[tilespmem:$0x4030] =	vst v0  }
0x13: {  	[tilespmem:$0x4040] =	vst v0  }
0x14: {  	[tilespmem:$0x4080] =	vst v1  }
0x15: {  	[tilespmem:$0x4090] =	vst v1  }
0x16: {  	[tilespmem:$0x40A0] =	vst v1  }
0x17: {  	[tilespmem:$0x40B0] =	vst v1  }
0x18: {  	[tilespmem:$0x40C0] =	vst v1  }
0x19: {  	[tilespmem:$0x40D0] =	vst v1  }
0x1a: {  	[tilespmem:$0x40E0] =	vst v1  }
0x1b: {  	[tilespmem:$0x40F0] =	vst v1  }
0x1c: {  	[tilespmem:$0x4100] =	vst v1  }
0x1d: {  	[tilespmem:$0x4110] =	vst v1  }
0x1e: {  	[tilespmem:$0x4120] =	vst v1  }
0x1f: {  	[tilespmem:$0x4130] =	vst v1  }
0x20: {  	[tilespmem:$0x4140] =	vst v1  }
0x21: {  	[tilespmem:$0x4150] =	vst v1  }
0x22: {  	[tilespmem:$0x4160] =	vst v1  }
0x23: {  	[tilespmem:$0x4170] =	vst v1  }
0x24: {  	[tilespmem:$0x4180] =	vst v1  }
0x25: {  	[tilespmem:$0x4190] =	vst v1  }
0x26: {  	[tilespmem:$0x41A0] =	vst v1  }
0x27: {  	[tilespmem:$0x41B0] =	vst v1  }
0x28: {  	[tilespmem:$0x41C0] =	vst v1  }
0x29: {  	[tilespmem:$0x41D0] =	vst v1  }
0x2a: {  	[tilespmem:$0x41E0] =	vst v1  }
0x2b: {  	[tilespmem:$0x41F0] =	vst v1  }
0x2c: {  	[tilespmem:$0x4200] =	vst v1  }
0x2d: {  	[tilespmem:$0x4210] =	vst v1  }
0x2e: {  	[tilespmem:$0x4220] =	vst v1  }
0x2f: {  	[tilespmem:$0x4230] =	vst v1  }
0x30: {  	[tilespmem:$0x4240] =	vst v1  }
0x31: {  	[tilespmem:$0x4250] =	vst v1  }
0x32: {  	[tilespmem:$0x4260] =	vst v1  }
0x33: {  	[tilespmem:$0x4270] =	vst v1  }
0x34: {  	[tilespmem:$0x4280] =	vst v1  }
0x35: {  	[tilespmem:$0x4290] =	vst v1  }
0x36: {  	[tilespmem:$0x42A0] =	vst v1  }
0x37: {  	[tilespmem:$0x42B0] =	vst v1  }
0x38: {  	[tilespmem:$0x42C0] =	vst v1  }
0x39: {  	[tilespmem:$0x42D0] =	vst v1  }
0x3a: {  	[tilespmem:$0x42E0] =	vst v1  }
0x3b: {  	[tilespmem:$0x42F0] =	vst v1  }
0x3c: {  	[spmem:s4] =	stream.linear.scatter [tilespmem:s8], [sflag:$0x1], $0x280, $0x38;
	[tilespmem:$0x4580] =	vst v63  }
0x3d: {  	_ =	swait.ge [sflag:s9], $0x280  }
0x3e: {  	[sflag:s9] =	ssyncset.done $0x0  }
0x3f: {  	[sflag:s9] =	ssyncadd.s32 $0xFFFFFD80  }
0x40: {  	[bflag:$0x0] =	sbarrier.arrive $0xFFFF  }
0x41: {  	[tilespmem:s3], [sflag:$0x1] =	stream.linear.gather [hbm4b:s5+s3], $0x3E80, $0x38;
	[tilespmem:$0x4580] =	vst v63  }
0x42: {  	_ =	swait.ge [sflag:s9], $0x3E80  }
0x43: {  	[sflag:s9] =	ssyncset.done $0x0  }
0x44: {  	s15 =	simm.s32 $0x0;
	[sflag:s9] =	ssyncadd.s32 $0xFFFFC180  }
0x45: {  	[spmem:s1] =	stream.indirect.scatter.add.f32 [tilespmem:s11], [sflag:$0x1], $0x1, s15, s10, $0xb8;
	[tilespmem:$0x4580] =	vst v63  }
0x46: {  	_ =	swait.ge [sflag:s9], $0x50  }
0x47: {  	s15 =	simm.s32 $0x200;
	[sflag:s9] =	ssyncset.done $0x0  }
.LBB2_2:
0x48: {  	s16 =	sshra.s32 s15, $0x2;
	[sflag:s9] =	ssyncadd.s32 $0xFFFFFFB0;
	p0 =	sne.s32 s15, $0xF800  }
0x49: {  	[spmem:s1] =	stream.indirect.scatter.add.f32 [tilespmem:s11], [sflag:$0x1], $0x1, s16, s10, $0xb8;
	[tilespmem:$0x4580] =	vst v63  }
.Ltmp0:
0x4a: {  	_ = 	snop;
	(pc) =	sbr.rel @p0 .LBB2_2-.Ltmp0, $4  }
0x4b: {  	_ = 	snop  }
0x4c: {  	s15 =	sadd.s32 $0x200, s15  }
0x4d: {  	_ =	swait.ge [sflag:s9], $0x50  }
0x4e: {  	[sflag:s9] =	ssyncset.done $0x0  }
0x4f: {  	[sflag:s9] =	ssyncadd.s32 $0xFFFFFFB0  }
0x50: {  	[bflag:$0x0] =	sbarrier.arrive $0xFFFF  }
0x51: {  	[tilespmem:s8], [sflag:$0x1] =	stream.linear.gather [spmem:s4], $0x280, $0x38;
	[tilespmem:$0x4580] =	vst v63  }
0x52: {  	s14 =	sadd.s32 $0x1, s14;
	_ =	swait.ge [sflag:s9], $0x280  }
0x53: {  	p0 =	sne.s32 s14, s7;
	[sflag:s9] =	ssyncset.done $0x0  }
.Ltmp1:
0x54: {  	[sflag:s9] =	ssyncadd.s32 $0xFFFFFD80;
	(pc) =	sbr.rel @p0 .LBB2_1-.Ltmp1, $4  }
0x55: {  	[hbm4b:s6+s12] =	stream.strided.scatter [tilespmem:s8], [sflag:$0x1], $0x280, s13, s12, $0x38;
	[tilespmem:$0x4580] =	vst v63  }
0x56: {  	_ =	swait.ge [sflag:s9], $0x280  }
0x57: {  	[sflag:s9] =	ssyncset.done $0x0  }
0x58: {  	[sflag:s9] =	ssyncadd.s32 $0xFFFFFD80  }
0x59: {  	_ =	sfence.sel $0x180000  }
0x5a: {  	[bflag:$0x0] =	sbarrier.arrive $0xFFFF  }
0x5b: {  	p0 =	sne.s32 s2, $0x0;
	_ =	strace $0x90000047  }
0x5c: {  	s0 =	sadd.s32 @!p0 $0x100000, s0;
	[bflag:$0x2] =	sbarrier.arrive $0xFFFF  }
0x5d: {  	[sflag:s0] =	ssyncadd.tile.s32 @!p0 $0x1;
	_ =	shalt  }
.Lfunc_end2:
_tile_overlayer_lowered:
.L_overlay_start_2:
0x5e: {  	(tag) =	ssettag $0x2  }
0x5f: {  	s0 =	rddreg [dreg:$0x0];
	s2 =	stileid.u32  }
0x60: {  	s1 =	rddreg [dreg:$0x1];
	p0 =	sne.s32 s2, $0x0  }
0x61: {  	s3 =	rddreg [dreg:$0x2];
	[bflag:$0x3] =	sbarrier.arrive $0xFFFF;
	s2 =	simm.s32 @!p0 $0x1C01  }
0x62: {  	[timem:s3], [sflag:s2] =	dma.local @!p0 [hbm:s0], s1  }
0x63: {  	s0 =	simm.s32 @!p0 $0x1  }
0x64: {  	_ =	swait.ge @!p0 [sflag:s0], s1  }
0x65: {  	s1 =	ssub.s32 @!p0 $0x0, s1;
	[sflag:s0] =	ssyncset.done @!p0 $0x0  }
0x66: {  	[sflag:s0] =	ssyncadd.s32 @!p0 s1  }
0x67: {  	[bflag:$0x3] =	sbarrier.arrive $0xFFFF  }
0x68: {  	_ =	shalt  }

</sc_bundles>
